<compile_context>
chip_gen: v7x
topology: tpu7x:2x2x1
jax: 0.10.2.dev20260603
libtpu: 0.0.44.dev20260713+nightly
codegen_flags: <defaults>
</compile_context>

<pallas_src>
import jax
import jax.numpy as jnp
from jax import lax
from jax.experimental import pallas as pl
from jax.experimental.pallas import tpu as pltpu
from jax.experimental.pallas import tpu_sc as plsc

Z = 64
V = 100000
B = 1024
S = 200
K = 5
NEG_INF = -1000000.0
UNK = 1

VCHUNK = 1000
NBLK = V // VCHUNK

NSLOT = 3
ROWS = S * NSLOT * B

try:
    _info = plsc.get_sparse_core_info()
    NC, NS = int(_info.num_cores), int(_info.num_subcores)
except Exception:
    NC, NS = 2, 16
W = NC * NS
CH_ROWS = 640
PW_ROWS = ROWS // W
NCHUNK = PW_ROWS // CH_ROWS


def _lse_body(t2_ref, t3_ref, t4_ref, out_ref, m_ref, s_ref):
    i = pl.program_id(0)
    last = pl.num_programs(0) - 1

    @pl.when(i == 0)
    def _init():
        m_ref[...] = jnp.zeros_like(m_ref)
        s_ref[...] = jnp.zeros_like(s_ref)

    for n, blk in enumerate((t2_ref, t3_ref, t4_ref)):
        x = blk[...]
        bm = jnp.max(x, axis=0, keepdims=True)
        bs = jnp.sum(jnp.exp(x - bm), axis=0, keepdims=True)
        m0 = m_ref[n:n + 1, :]
        s0 = s_ref[n:n + 1, :]
        mn = jnp.maximum(m0, bm)
        m_ref[n:n + 1, :] = mn
        s_ref[n:n + 1, :] = s0 * jnp.exp(m0 - mn) + bs * jnp.exp(bm - mn)

    @pl.when(i == last)
    def _fin():
        out_ref[...] = m_ref[...] + jnp.log(s_ref[...])


def _lse_call(e2, e3, e4):
    return pl.pallas_call(
        _lse_body,
        grid=(NBLK,),
        in_specs=[pl.BlockSpec((VCHUNK, Z), lambda i: (i, 0))] * 3,
        out_specs=pl.BlockSpec((8, Z), lambda i: (0, 0)),
        out_shape=jax.ShapeDtypeStruct((8, Z), jnp.float32),
        scratch_shapes=[pltpu.VMEM((8, Z), jnp.float32),
                        pltpu.VMEM((8, Z), jnp.float32)],
    )(e2, e3, e4)


def _build_body(t2_ref, t3_ref, t4_ref, lse_ref, out_ref):
    i = pl.program_id(0)
    rows = lax.broadcasted_iota(jnp.int32, (VCHUNK, 1), 0) + i * VCHUNK
    for n, blk in enumerate((t2_ref, t3_ref, t4_ref)):
        v = blk[...] - lse_ref[n:n + 1, :]
        v = jnp.where(rows == 0, 0.0, v)
        v = jnp.where(rows == 1, NEG_INF, v)
        out_ref[n, :, :] = v


def _build_call(e2, e3, e4, lse):
    return pl.pallas_call(
        _build_body,
        grid=(NBLK,),
        in_specs=[pl.BlockSpec((VCHUNK, Z), lambda i: (i, 0))] * 3
        + [pl.BlockSpec((8, Z), lambda i: (0, 0))],
        out_specs=pl.BlockSpec((3, VCHUNK, Z), lambda i: (0, i, 0)),
        out_shape=jax.ShapeDtypeStruct((3, V, Z), jnp.float32),
    )(e2, e3, e4, lse)


def _sc_body(tall_ref, g_ref, out_ref, idx_v, buf0, buf1, sem0, sem1):
    wid = lax.axis_index("s") * NC + lax.axis_index("c")
    pltpu.sync_copy(g_ref.at[wid], idx_v)
    obase = wid * PW_ROWS

    def gather(c, buf, sem):
        return pltpu.make_async_copy(
            tall_ref.at[idx_v.at[pl.ds(c * CH_ROWS, CH_ROWS)]], buf, sem)

    def write(c, buf):
        pltpu.sync_copy(buf, out_ref.at[pl.ds(obase + c * CH_ROWS, CH_ROWS)])

    gather(0, buf0, sem0).start()

    def pair(k, carry):
        c0 = 2 * k
        c1 = c0 + 1
        gather(c1, buf1, sem1).start()
        gather(c0, buf0, sem0).wait()
        write(c0, buf0)

        @pl.when(c0 + 2 < NCHUNK)
        def _():
            gather(c0 + 2, buf0, sem0).start()

        gather(c1, buf1, sem1).wait()
        write(c1, buf1)
        return carry

    lax.fori_loop(0, NCHUNK // 2, pair, 0)


def _sc_call(tall_flat, g3):
    mesh = plsc.VectorSubcoreMesh(core_axis_name="c", subcore_axis_name="s")
    fn = pl.kernel(
        _sc_body,
        out_type=jax.ShapeDtypeStruct((ROWS, Z), jnp.float32),
        mesh=mesh,
        scratch_types=[
            pltpu.VMEM((PW_ROWS,), jnp.int32),
            pltpu.VMEM((CH_ROWS, Z), jnp.float32),
            pltpu.VMEM((CH_ROWS, Z), jnp.float32),
            pltpu.SemaphoreType.DMA,
            pltpu.SemaphoreType.DMA,
        ],
        compiler_params=pltpu.CompilerParams(use_tc_tiling_on_sc=False),
    )
    return fn(tall_flat, g3)


SBLK = 2


def _asm_body(in_ref, out_ref):
    k = pl.program_id(0)

    @pl.when(k < 2)
    def _z():
        out_ref[...] = jnp.zeros_like(out_ref)

    @pl.when(k >= 2)
    def _t():
        ri = lax.broadcasted_iota(jnp.int32, (Z, Z), 0)
        ci = lax.broadcasted_iota(jnp.int32, (Z, Z), 1)
        ident = (ri == ci).astype(jnp.float32)
        for t in range(SBLK):
            x = in_ref[t, 0]
            ta = lax.dot_general(ident, x[:, 0:Z],
                                 (((1,), (1,)), ((), ())),
                                 precision=lax.Precision.HIGHEST,
                                 preferred_element_type=jnp.float32)
            tb = lax.dot_general(ident, x[:, Z:2 * Z],
                                 (((1,), (1,)), ((), ())),
                                 precision=lax.Precision.HIGHEST,
                                 preferred_element_type=jnp.float32)
            out_ref[t, 0] = jnp.concatenate([ta, tb], axis=1)


def _asm_call(gathered):
    return pl.pallas_call(
        _asm_body,
        grid=(K, S // SBLK),
        in_specs=[pl.BlockSpec(
            (SBLK, 1, B // 2, 2 * Z),
            lambda k, s: (jnp.where(k < 2, 0, s), jnp.maximum(k - 2, 0), 0, 0))],
        out_specs=pl.BlockSpec((SBLK, 1, Z, B), lambda k, s: (s, k, 0, 0)),
        out_shape=jax.ShapeDtypeStruct((S, K, Z, B), jnp.float32),
    )(gathered)


def kernel(x, x_lengths, subseq_ids_2, subseq_ids_3, subseq_ids_4,
           transition_matrix_z_z, length_emission_matrix_z_n,
           emission_table_2, emission_table_3, emission_table_4):
    lse = _lse_call(emission_table_2, emission_table_3, emission_table_4)
    tall = _build_call(emission_table_2, emission_table_3, emission_table_4, lse)
    tall_flat = tall.reshape(3 * V, Z)

    def clamp(ids):
        ids = ids.astype(jnp.int32)
        return jnp.where(ids >= V, UNK, ids)

    def permuted(ids):
        return clamp(ids).reshape(2, B // 2, S).transpose(2, 1, 0).reshape(S, B)

    i2 = permuted(subseq_ids_2)
    i3 = permuted(subseq_ids_3) + V
    i4 = permuted(subseq_ids_4) + 2 * V
    g3 = jnp.stack([i2, i3, i4], axis=1).reshape(W, PW_ROWS)

    gathered = _sc_call(tall_flat, g3).reshape(S, NSLOT, B // 2, 2 * Z)
    out_phys = _asm_call(gathered)
    return out_phys.transpose(3, 0, 1, 2)

# --- scband reference (transcript-rebuilt; emitter-appended) ---
"""Pipeline reference for scband-hsmmmodel-54657753808971 (READ-ONLY COPY).

The authoritative reference and input builder live on the scoring server;
editing this copy changes nothing except your own understanding.
"""

import jax, jax.numpy as jnp
import numpy as np

Z = 64
V = 100000
B = 1024
S = 200
MIN_N = 2
MAX_N = 4
PAD = 0
UNK = 1
NEG_INF = -1000000.0


def _xavier_uniform(k, shape):
    limit = np.sqrt(6.0 / (shape[0] + shape[1]))
    return jax.random.uniform(k, shape, minval=-limit, maxval=limit, dtype=jnp.float32)


def setup_inputs(seed: int = 0) -> dict:
    key = jax.random.key(seed)
    ks = jax.random.split(key, 10)
    x = jax.random.randint(ks[0], (B, S), 0, V)
    x_lengths = jax.random.randint(ks[1], (B,), 1, 198)
    subseq_ids_2 = jax.random.randint(ks[2], (B, S), 0, V)
    subseq_ids_3 = jax.random.randint(ks[3], (B, S), 0, V)
    subseq_ids_4 = jax.random.randint(ks[4], (B, S), 0, V)
    transition_matrix_z_z = _xavier_uniform(ks[5], (Z, Z))
    length_emission_matrix_z_n = _xavier_uniform(ks[6], (Z, MAX_N - MIN_N + 1))
    emission_table_2 = _xavier_uniform(ks[7], (V, Z))
    emission_table_3 = _xavier_uniform(ks[8], (V, Z))
    emission_table_4 = _xavier_uniform(ks[9], (V, Z))
    return {
        "x": x,
        "x_lengths": x_lengths,
        "subseq_ids_2": subseq_ids_2,
        "subseq_ids_3": subseq_ids_3,
        "subseq_ids_4": subseq_ids_4,
        "transition_matrix_z_z": transition_matrix_z_z,
        "length_emission_matrix_z_n": length_emission_matrix_z_n,
        "emission_table_2": emission_table_2,
        "emission_table_3": emission_table_3,
        "emission_table_4": emission_table_4,
    }


def reference(x, x_lengths, subseq_ids_2, subseq_ids_3, subseq_ids_4,
              transition_matrix_z_z, length_emission_matrix_z_n,
              emission_table_2, emission_table_3, emission_table_4):
    # log-normalized transition and length-emission matrices (computed as in forward)
    trans = jax.nn.log_softmax(transition_matrix_z_z, axis=-1)
    pad_logits = jnp.full((Z, MIN_N), NEG_INF, dtype=jnp.float32)
    length_mat = jax.nn.log_softmax(
        jnp.concatenate([pad_logits, length_emission_matrix_z_n], axis=-1), axis=-1)

    batch_size, seq_len = x.shape
    K = min(MAX_N + 1, seq_len)
    emission_scores = jnp.zeros((batch_size, seq_len, K, Z), dtype=jnp.float32)

    tables = {2: emission_table_2, 3: emission_table_3, 4: emission_table_4}
    ids_map = {2: subseq_ids_2, 3: subseq_ids_3, 4: subseq_ids_4}
    for n in range(MIN_N, K):
        table = jax.nn.log_softmax(tables[n], axis=0)
        ids = ids_map[n].reshape(-1)
        ids = jnp.where(ids >= V, UNK, ids)
        scores = jnp.take(table, ids, axis=0)
        scores = jnp.where((ids == UNK)[:, None], NEG_INF, scores)
        scores = jnp.where((ids == PAD)[:, None], 0.0, scores)
        scores = scores.reshape(batch_size, -1, Z)
        emission_scores = emission_scores.at[:, :scores.shape[1], n, :].add(scores)

    # NOTE: the original forward then calls SemiMarkov()._dp_standard_efficient(...),
    # a class that is not defined in the provided source (and it hits pdb.set_trace()).
    # The faithful, runnable portion is the emission-score construction above, which
    # is the embedding-lookup workload of this module.
    return emission_scores

if __name__ == "__main__":
    import jax
    _d = setup_inputs()
    print(jax.jit(kernel)(*tuple(_d.values())))

</pallas_src>

<mosaic_0001>
#map = affine_map<(d0, d1) -> (0, 0)>
module attributes {stable_mosaic.version = 14 : i64} {
  func.func @_sc_body(%arg0: i32, %arg1: i32, %arg2: memref<300000x64xf32, #tpu.memory_space<hbm>>, %arg3: memref<32x19200xi32, #tpu.memory_space<hbm>>, %arg4: memref<614400x64xf32, #tpu.memory_space<hbm>>, %arg5: memref<19200xi32, #tpu.memory_space<vmem>>, %arg6: memref<640x64xf32, #tpu.memory_space<vmem>>, %arg7: memref<640x64xf32, #tpu.memory_space<vmem>>, %arg8: memref<!tpu.dma_semaphore, #tpu.memory_space<semaphore_mem>>, %arg9: memref<!tpu.dma_semaphore, #tpu.memory_space<semaphore_mem>>) attributes {dimension_semantics = [#tpu.dimension_semantics<core_parallel>, #tpu.dimension_semantics<subcore_parallel>], iteration_bounds = array<i64: 2, 16>, scalar_prefetch = 0 : i64, scratch_operands = 5 : i64, tpu.core_type = #tpu.core_type<sc_vector_subcore>, window_params = [{transform_indices = #map}, {transform_indices = #map}, {transform_indices = #map}]} {
    %mul3A = arith.constant 2 : i32
    %mul3A_0 = arith.muli %arg1, %mul3A : i32
    %add3A = arith.addi %mul3A_0, %arg0 : i32
    "tpu.region"() ({
      %run_scoped3A = tpu.sem_alloc : memref<!tpu.dma_semaphore, #tpu.memory_space<semaphore_mem>>
      %dma_start3A_12 = arith.constant 0 : i32
      %dma_start3A_13 = tpu.memref_slice %arg3[%add3A, %dma_start3A_12] : memref<32x19200xi32, #tpu.memory_space<hbm>> -> memref<1x19200xi32, #tpu.memory_space<hbm>>
      %dma_start3A_14 = tpu.memref_squeeze %dma_start3A_13 : memref<1x19200xi32, #tpu.memory_space<hbm>> -> memref<19200xi32, #tpu.memory_space<hbm>>
      %dma_start3A_15 = arith.constant 0 : i32
      %dma_start3A_16 = tpu.memref_slice %arg3[%add3A, %dma_start3A_15] : memref<32x19200xi32, #tpu.memory_space<hbm>> -> memref<1x19200xi32, #tpu.memory_space<hbm>>
      %dma_start3A_17 = tpu.memref_squeeze %dma_start3A_16 : memref<1x19200xi32, #tpu.memory_space<hbm>> -> memref<19200xi32, #tpu.memory_space<hbm>>
      tpu.enqueue_dma source(%dma_start3A_17 : memref<19200xi32, #tpu.memory_space<hbm>>) target(%arg5 : memref<19200xi32, #tpu.memory_space<vmem>>) target_semaphore(%run_scoped3A : memref<!tpu.dma_semaphore, #tpu.memory_space<semaphore_mem>>)
      %dma_wait3A = arith.constant 0 : i32
      %dma_wait3A_18 = tpu.memref_slice %arg3[%add3A, %dma_wait3A] : memref<32x19200xi32, #tpu.memory_space<hbm>> -> memref<1x19200xi32, #tpu.memory_space<hbm>>
      %dma_wait3A_19 = tpu.memref_squeeze %dma_wait3A_18 : memref<1x19200xi32, #tpu.memory_space<hbm>> -> memref<19200xi32, #tpu.memory_space<hbm>>
      %dma_wait3A_20 = arith.constant 0 : i32
      %dma_wait3A_21 = tpu.memref_slice %arg3[%add3A, %dma_wait3A_20] : memref<32x19200xi32, #tpu.memory_space<hbm>> -> memref<1x19200xi32, #tpu.memory_space<hbm>>
      %dma_wait3A_22 = tpu.memref_squeeze %dma_wait3A_21 : memref<1x19200xi32, #tpu.memory_space<hbm>> -> memref<19200xi32, #tpu.memory_space<hbm>>
      tpu.wait_dma2 semaphore(%run_scoped3A : memref<!tpu.dma_semaphore, #tpu.memory_space<semaphore_mem>>) src(%dma_wait3A_22 : memref<19200xi32, #tpu.memory_space<hbm>>) dst(%arg5 : memref<19200xi32, #tpu.memory_space<vmem>>)
      tpu.yield
    }) : () -> ()
    %mul3A_1 = arith.constant 19200 : i32
    %mul3A_2 = arith.muli %add3A, %mul3A_1 : i32
    %dma_start3A = arith.constant 0 : i32
    %dma_start3A_3 = tpu.memref_slice %arg5[%dma_start3A] : memref<19200xi32, #tpu.memory_space<vmem>> -> memref<640xi32, #tpu.memory_space<vmem>>
    %dma_start3A_4 = arith.constant 0 : i32
    %dma_start3A_5 = arith.constant 0 : i32
    %dma_start3A_6 = tpu.memref_slice %arg2[%dma_start3A_4, %dma_start3A_5] : memref<300000x64xf32, #tpu.memory_space<hbm>> -> memref<300000x64xf32, #tpu.memory_space<hbm>>
    tpu.enqueue_indirect_dma source(%dma_start3A_6 : memref<300000x64xf32, #tpu.memory_space<hbm>>) target(%arg6 : memref<640x64xf32, #tpu.memory_space<vmem>>) offsets(%dma_start3A_3 : memref<640xi32, #tpu.memory_space<vmem>>) semaphore(%arg8 : memref<!tpu.dma_semaphore, #tpu.memory_space<semaphore_mem>>)
    %scan3A = arith.constant 0 : i32
    %scan3A_7 = arith.constant 0 : i32
    %scan3A_8 = arith.constant 15 : i32
    %scan3A_9 = arith.addi %scan3A_7, %scan3A_8 : i32
    %scan3A_10 = arith.constant 1 : i32
    scf.for %scan3A_12 = %scan3A_7 to %scan3A_9 step %scan3A_10  : i32 {
      %mul3A_13 = arith.constant 2 : i32
      %mul3A_14 = arith.muli %mul3A_13, %scan3A_12 : i32
      %add3A_15 = arith.constant 1 : i32
      %add3A_16 = arith.addi %mul3A_14, %add3A_15 : i32
      %mul3A_17 = arith.constant 640 : i32
      %mul3A_18 = arith.muli %add3A_16, %mul3A_17 : i32
      %dma_start3A_19 = tpu.memref_slice %arg5[%mul3A_18] : memref<19200xi32, #tpu.memory_space<vmem>> -> memref<640xi32, #tpu.memory_space<vmem>>
      %dma_start3A_20 = arith.constant 0 : i32
      %dma_start3A_21 = arith.constant 0 : i32
      %dma_start3A_22 = tpu.memref_slice %arg2[%dma_start3A_20, %dma_start3A_21] : memref<300000x64xf32, #tpu.memory_space<hbm>> -> memref<300000x64xf32, #tpu.memory_space<hbm>>
      tpu.enqueue_indirect_dma source(%dma_start3A_22 : memref<300000x64xf32, #tpu.memory_space<hbm>>) target(%arg7 : memref<640x64xf32, #tpu.memory_space<vmem>>) offsets(%dma_start3A_19 : memref<640xi32, #tpu.memory_space<vmem>>) semaphore(%arg9 : memref<!tpu.dma_semaphore, #tpu.memory_space<semaphore_mem>>)
      %mul3A_23 = arith.constant 640 : i32
      %mul3A_24 = arith.muli %mul3A_14, %mul3A_23 : i32
      %dma_wait3A = tpu.memref_slice %arg5[%mul3A_24] : memref<19200xi32, #tpu.memory_space<vmem>> -> memref<640xi32, #tpu.memory_space<vmem>>
      %dma_wait3A_25 = arith.constant 0 : i32
      %dma_wait3A_26 = arith.constant 0 : i32
      %dma_wait3A_27 = tpu.memref_slice %arg2[%dma_wait3A_25, %dma_wait3A_26] : memref<300000x64xf32, #tpu.memory_space<hbm>> -> memref<300000x64xf32, #tpu.memory_space<hbm>>
      tpu.wait_indirect_dma semaphore(%arg8 : memref<!tpu.dma_semaphore, #tpu.memory_space<semaphore_mem>>) src(%dma_wait3A_27 : memref<300000x64xf32, #tpu.memory_space<hbm>>) dst(%arg6 : memref<640x64xf32, #tpu.memory_space<vmem>>)
      %mul3A_28 = arith.constant 640 : i32
      %mul3A_29 = arith.muli %mul3A_14, %mul3A_28 : i32
      %add3A_30 = arith.addi %mul3A_2, %mul3A_29 : i32
      "tpu.region"() ({
        %run_scoped3A = tpu.sem_alloc : memref<!tpu.dma_semaphore, #tpu.memory_space<semaphore_mem>>
        %dma_start3A_44 = arith.constant 0 : i32
        %dma_start3A_45 = tpu.memref_slice %arg4[%add3A_30, %dma_start3A_44] : memref<614400x64xf32, #tpu.memory_space<hbm>> -> memref<640x64xf32, #tpu.memory_space<hbm>>
        %dma_start3A_46 = arith.constant 0 : i32
        %dma_start3A_47 = tpu.memref_slice %arg4[%add3A_30, %dma_start3A_46] : memref<614400x64xf32, #tpu.memory_space<hbm>> -> memref<640x64xf32, #tpu.memory_space<hbm>>
        tpu.enqueue_dma source(%arg6 : memref<640x64xf32, #tpu.memory_space<vmem>>) target(%dma_start3A_47 : memref<640x64xf32, #tpu.memory_space<hbm>>) target_semaphore(%run_scoped3A : memref<!tpu.dma_semaphore, #tpu.memory_space<semaphore_mem>>)
        %dma_wait3A_48 = arith.constant 0 : i32
        %dma_wait3A_49 = tpu.memref_slice %arg4[%add3A_30, %dma_wait3A_48] : memref<614400x64xf32, #tpu.memory_space<hbm>> -> memref<640x64xf32, #tpu.memory_space<hbm>>
        %dma_wait3A_50 = arith.constant 0 : i32
        %dma_wait3A_51 = tpu.memref_slice %arg4[%add3A_30, %dma_wait3A_50] : memref<614400x64xf32, #tpu.memory_space<hbm>> -> memref<640x64xf32, #tpu.memory_space<hbm>>
        tpu.wait_dma2 semaphore(%run_scoped3A : memref<!tpu.dma_semaphore, #tpu.memory_space<semaphore_mem>>) src(%arg6 : memref<640x64xf32, #tpu.memory_space<vmem>>) dst(%dma_wait3A_51 : memref<640x64xf32, #tpu.memory_space<hbm>>)
        tpu.yield
      }) : () -> ()
      %add3A_31 = arith.constant 2 : i32
      %add3A_32 = arith.addi %mul3A_14, %add3A_31 : i32
      %lt3A = arith.constant 30 : i32
      %lt3A_33 = arith.cmpi slt, %add3A_32, %lt3A : i32
      %convert_element_type3A = arith.extui %lt3A_33 : i1 to i32
      %cond3A = arith.constant 0 : i32
      %cond3A_34 = arith.cmpi ne, %convert_element_type3A, %cond3A : i32
      scf.if %cond3A_34 {
        %add3A_44 = arith.constant 2 : i32
        %add3A_45 = arith.addi %mul3A_14, %add3A_44 : i32
        %mul3A_46 = arith.constant 640 : i32
        %mul3A_47 = arith.muli %add3A_45, %mul3A_46 : i32
        %dma_start3A_48 = tpu.memref_slice %arg5[%mul3A_47] : memref<19200xi32, #tpu.memory_space<vmem>> -> memref<640xi32, #tpu.memory_space<vmem>>
        %dma_start3A_49 = arith.constant 0 : i32
        %dma_start3A_50 = arith.constant 0 : i32
        %dma_start3A_51 = tpu.memref_slice %arg2[%dma_start3A_49, %dma_start3A_50] : memref<300000x64xf32, #tpu.memory_space<hbm>> -> memref<300000x64xf32, #tpu.memory_space<hbm>>
        tpu.enqueue_indirect_dma source(%dma_start3A_51 : memref<300000x64xf32, #tpu.memory_space<hbm>>) target(%arg6 : memref<640x64xf32, #tpu.memory_space<vmem>>) offsets(%dma_start3A_48 : memref<640xi32, #tpu.memory_space<vmem>>) semaphore(%arg8 : memref<!tpu.dma_semaphore, #tpu.memory_space<semaphore_mem>>)
      } else {
      }
      %mul3A_35 = arith.constant 640 : i32
      %mul3A_36 = arith.muli %add3A_16, %mul3A_35 : i32
      %dma_wait3A_37 = tpu.memref_slice %arg5[%mul3A_36] : memref<19200xi32, #tpu.memory_space<vmem>> -> memref<640xi32, #tpu.memory_space<vmem>>
      %dma_wait3A_38 = arith.constant 0 : i32
      %dma_wait3A_39 = arith.constant 0 : i32
      %dma_wait3A_40 = tpu.memref_slice %arg2[%dma_wait3A_38, %dma_wait3A_39] : memref<300000x64xf32, #tpu.memory_space<hbm>> -> memref<300000x64xf32, #tpu.memory_space<hbm>>
      tpu.wait_indirect_dma semaphore(%arg9 : memref<!tpu.dma_semaphore, #tpu.memory_space<semaphore_mem>>) src(%dma_wait3A_40 : memref<300000x64xf32, #tpu.memory_space<hbm>>) dst(%arg7 : memref<640x64xf32, #tpu.memory_space<vmem>>)
      %mul3A_41 = arith.constant 640 : i32
      %mul3A_42 = arith.muli %add3A_16, %mul3A_41 : i32
      %add3A_43 = arith.addi %mul3A_2, %mul3A_42 : i32
      "tpu.region"() ({
        %run_scoped3A = tpu.sem_alloc : memref<!tpu.dma_semaphore, #tpu.memory_space<semaphore_mem>>
        %dma_start3A_44 = arith.constant 0 : i32
        %dma_start3A_45 = tpu.memref_slice %arg4[%add3A_43, %dma_start3A_44] : memref<614400x64xf32, #tpu.memory_space<hbm>> -> memref<640x64xf32, #tpu.memory_space<hbm>>
        %dma_start3A_46 = arith.constant 0 : i32
        %dma_start3A_47 = tpu.memref_slice %arg4[%add3A_43, %dma_start3A_46] : memref<614400x64xf32, #tpu.memory_space<hbm>> -> memref<640x64xf32, #tpu.memory_space<hbm>>
        tpu.enqueue_dma source(%arg7 : memref<640x64xf32, #tpu.memory_space<vmem>>) target(%dma_start3A_47 : memref<640x64xf32, #tpu.memory_space<hbm>>) target_semaphore(%run_scoped3A : memref<!tpu.dma_semaphore, #tpu.memory_space<semaphore_mem>>)
        %dma_wait3A_48 = arith.constant 0 : i32
        %dma_wait3A_49 = tpu.memref_slice %arg4[%add3A_43, %dma_wait3A_48] : memref<614400x64xf32, #tpu.memory_space<hbm>> -> memref<640x64xf32, #tpu.memory_space<hbm>>
        %dma_wait3A_50 = arith.constant 0 : i32
        %dma_wait3A_51 = tpu.memref_slice %arg4[%add3A_43, %dma_wait3A_50] : memref<614400x64xf32, #tpu.memory_space<hbm>> -> memref<640x64xf32, #tpu.memory_space<hbm>>
        tpu.wait_dma2 semaphore(%run_scoped3A : memref<!tpu.dma_semaphore, #tpu.memory_space<semaphore_mem>>) src(%arg7 : memref<640x64xf32, #tpu.memory_space<vmem>>) dst(%dma_wait3A_51 : memref<640x64xf32, #tpu.memory_space<hbm>>)
        tpu.yield
      }) : () -> ()
    }
    %scan3A_11 = arith.constant 15 : i32
    return
  }
}

module attributes {stable_mosaic.version = 14 : i64} {
  func.func @_lse_body(%arg0: i32, %arg1: memref<1000x64xf32, #tpu.memory_space<vmem>>, %arg2: memref<1000x64xf32, #tpu.memory_space<vmem>>, %arg3: memref<1000x64xf32, #tpu.memory_space<vmem>>, %arg4: memref<8x64xf32, #tpu.memory_space<vmem>>, %arg5: memref<8x64xf32, #tpu.memory_space<vmem>>, %arg6: memref<8x64xf32, #tpu.memory_space<vmem>>) attributes {dimension_semantics = [#tpu.dimension_semantics<arbitrary>], iteration_bounds = array<i64: 100>, scalar_prefetch = 0 : i64, scratch_operands = 2 : i64, tpu.core_type = #tpu.core_type<tc>, window_params = [{transform_indices = @transform_0, window_bounds = array<i64: 1000, 64>}, {transform_indices = @transform_1, window_bounds = array<i64: 1000, 64>}, {transform_indices = @transform_2, window_bounds = array<i64: 1000, 64>}, {pipeline_mode = #tpu.pipeline_mode<synchronous>, transform_indices = @transform_3, window_bounds = array<i64: 8, 64>}]} {
    %eq3A = arith.constant 0 : i32
    %eq3A_0 = arith.cmpi eq, %arg0, %eq3A : i32
    %convert_element_type3A = arith.extui %eq3A_0 : i1 to i32
    %cond3A = arith.constant 0 : i32
    %cond3A_1 = arith.cmpi ne, %convert_element_type3A, %cond3A : i32
    scf.if %cond3A_1 {
      %broadcast_in_dim3A_93 = arith.constant 0.000000e+00 : f32
      %broadcast_in_dim3A_94 = vector.broadcast %broadcast_in_dim3A_93 : f32 to vector<8x64xf32>
      %swap3A_95 = arith.constant 0 : index
      %swap3A_96 = arith.constant 0 : index
      %swap3A_97 = vector.load %arg5[%swap3A_95, %swap3A_96] : memref<8x64xf32, #tpu.memory_space<vmem>>, vector<8x64xf32>
      tpu.vector_store %arg5[%swap3A_95, %swap3A_96], %broadcast_in_dim3A_94 {strides = array<i32>} : memref<8x64xf32, #tpu.memory_space<vmem>>, vector<8x64xf32>,
      %broadcast_in_dim3A_98 = arith.constant 0.000000e+00 : f32
      %broadcast_in_dim3A_99 = vector.broadcast %broadcast_in_dim3A_98 : f32 to vector<8x64xf32>
      %swap3A_100 = arith.constant 0 : index
      %swap3A_101 = arith.constant 0 : index
      %swap3A_102 = vector.load %arg6[%swap3A_100, %swap3A_101] : memref<8x64xf32, #tpu.memory_space<vmem>>, vector<8x64xf32>
      tpu.vector_store %arg6[%swap3A_100, %swap3A_101], %broadcast_in_dim3A_99 {strides = array<i32>} : memref<8x64xf32, #tpu.memory_space<vmem>>, vector<8x64xf32>,
    } else {
    }
    %get3A = arith.constant 0 : index
    %get3A_2 = arith.constant 0 : index
    %get3A_3 = vector.load %arg1[%get3A, %get3A_2] : memref<1000x64xf32, #tpu.memory_space<vmem>>, vector<1000x64xf32>
    %reduce_max3A = arith.constant dense<0xFF800000> : vector<64xf32>
    %reduce_max3A_4 = vector.multi_reduction <maximumf>, %get3A_3, %reduce_max3A [0] : vector<1000x64xf32> to vector<64xf32>
    %broadcast_in_dim3A = vector.shape_cast %reduce_max3A_4 : vector<64xf32> to vector<1x64xf32>
    %sub3A = vector.broadcast %broadcast_in_dim3A : vector<1x64xf32> to vector<1000x64xf32>
    %sub3A_5 = arith.subf %get3A_3, %sub3A : vector<1000x64xf32>
    %exp3A = math.exp %sub3A_5 : vector<1000x64xf32>
    %reduce_sum3A = arith.constant dense<0.000000e+00> : vector<64xf32>
    %reduce_sum3A_6 = vector.multi_reduction <add>, %exp3A, %reduce_sum3A [0] : vector<1000x64xf32> to vector<64xf32>
    %broadcast_in_dim3A_7 = vector.shape_cast %reduce_sum3A_6 : vector<64xf32> to vector<1x64xf32>
    %get3A_8 = arith.constant 0 : index
    %get3A_9 = arith.constant 0 : index
    %get3A_10 = vector.load %arg5[%get3A_8, %get3A_9] : memref<8x64xf32, #tpu.memory_space<vmem>>, vector<1x64xf32>
    %get3A_11 = arith.constant 0 : index
    %get3A_12 = arith.constant 0 : index
    %get3A_13 = vector.load %arg6[%get3A_11, %get3A_12] : memref<8x64xf32, #tpu.memory_space<vmem>>, vector<1x64xf32>
    %max3A = arith.maximumf %get3A_10, %broadcast_in_dim3A : vector<1x64xf32>
    %swap3A = arith.constant 0 : index
    %swap3A_14 = arith.constant 0 : index
    %swap3A_15 = vector.load %arg5[%swap3A, %swap3A_14] : memref<8x64xf32, #tpu.memory_space<vmem>>, vector<1x64xf32>
    tpu.vector_store %arg5[%swap3A, %swap3A_14], %max3A {strides = array<i32>} : memref<8x64xf32, #tpu.memory_space<vmem>>, vector<1x64xf32>,
    %sub3A_16 = arith.subf %get3A_10, %max3A : vector<1x64xf32>
    %exp3A_17 = math.exp %sub3A_16 : vector<1x64xf32>
    %mul3A = arith.mulf %get3A_13, %exp3A_17 : vector<1x64xf32>
    %sub3A_18 = arith.subf %broadcast_in_dim3A, %max3A : vector<1x64xf32>
    %exp3A_19 = math.exp %sub3A_18 : vector<1x64xf32>
    %mul3A_20 = arith.mulf %broadcast_in_dim3A_7, %exp3A_19 : vector<1x64xf32>
    %add3A = arith.addf %mul3A, %mul3A_20 : vector<1x64xf32>
    %swap3A_21 = arith.constant 0 : index
    %swap3A_22 = arith.constant 0 : index
    %swap3A_23 = vector.load %arg6[%swap3A_21, %swap3A_22] : memref<8x64xf32, #tpu.memory_space<vmem>>, vector<1x64xf32>
    tpu.vector_store %arg6[%swap3A_21, %swap3A_22], %add3A {strides = array<i32>} : memref<8x64xf32, #tpu.memory_space<vmem>>, vector<1x64xf32>,
    %get3A_24 = arith.constant 0 : index
    %get3A_25 = arith.constant 0 : index
    %get3A_26 = vector.load %arg2[%get3A_24, %get3A_25] : memref<1000x64xf32, #tpu.memory_space<vmem>>, vector<1000x64xf32>
    %reduce_max3A_27 = arith.constant dense<0xFF800000> : vector<64xf32>
    %reduce_max3A_28 = vector.multi_reduction <maximumf>, %get3A_26, %reduce_max3A_27 [0] : vector<1000x64xf32> to vector<64xf32>
    %broadcast_in_dim3A_29 = vector.shape_cast %reduce_max3A_28 : vector<64xf32> to vector<1x64xf32>
    %sub3A_30 = vector.broadcast %broadcast_in_dim3A_29 : vector<1x64xf32> to vector<1000x64xf32>
    %sub3A_31 = arith.subf %get3A_26, %sub3A_30 : vector<1000x64xf32>
    %exp3A_32 = math.exp %sub3A_31 : vector<1000x64xf32>
    %reduce_sum3A_33 = arith.constant dense<0.000000e+00> : vector<64xf32>
    %reduce_sum3A_34 = vector.multi_reduction <add>, %exp3A_32, %reduce_sum3A_33 [0] : vector<1000x64xf32> to vector<64xf32>
    %broadcast_in_dim3A_35 = vector.shape_cast %reduce_sum3A_34 : vector<64xf32> to vector<1x64xf32>
    %get3A_36 = arith.constant 1 : index
    %get3A_37 = arith.constant 0 : index
    %get3A_38 = vector.load %arg5[%get3A_36, %get3A_37] : memref<8x64xf32, #tpu.memory_space<vmem>>, vector<1x64xf32>
    %get3A_39 = arith.constant 1 : index
    %get3A_40 = arith.constant 0 : index
    %get3A_41 = vector.load %arg6[%get3A_39, %get3A_40] : memref<8x64xf32, #tpu.memory_space<vmem>>, vector<1x64xf32>
    %max3A_42 = arith.maximumf %get3A_38, %broadcast_in_dim3A_29 : vector<1x64xf32>
    %swap3A_43 = arith.constant 1 : index
    %swap3A_44 = arith.constant 0 : index
    %swap3A_45 = vector.load %arg5[%swap3A_43, %swap3A_44] : memref<8x64xf32, #tpu.memory_space<vmem>>, vector<1x64xf32>
    tpu.vector_store %arg5[%swap3A_43, %swap3A_44], %max3A_42 {strides = array<i32>} : memref<8x64xf32, #tpu.memory_space<vmem>>, vector<1x64xf32>,
    %sub3A_46 = arith.subf %get3A_38, %max3A_42 : vector<1x64xf32>
    %exp3A_47 = math.exp %sub3A_46 : vector<1x64xf32>
    %mul3A_48 = arith.mulf %get3A_41, %exp3A_47 : vector<1x64xf32>
    %sub3A_49 = arith.subf %broadcast_in_dim3A_29, %max3A_42 : vector<1x64xf32>
    %exp3A_50 = math.exp %sub3A_49 : vector<1x64xf32>
    %mul3A_51 = arith.mulf %broadcast_in_dim3A_35, %exp3A_50 : vector<1x64xf32>
    %add3A_52 = arith.addf %mul3A_48, %mul3A_51 : vector<1x64xf32>
    %swap3A_53 = arith.constant 1 : index
    %swap3A_54 = arith.constant 0 : index
    %swap3A_55 = vector.load %arg6[%swap3A_53, %swap3A_54] : memref<8x64xf32, #tpu.memory_space<vmem>>, vector<1x64xf32>
    tpu.vector_store %arg6[%swap3A_53, %swap3A_54], %add3A_52 {strides = array<i32>} : memref<8x64xf32, #tpu.memory_space<vmem>>, vector<1x64xf32>,
    %get3A_56 = arith.constant 0 : index
    %get3A_57 = arith.constant 0 : index
    %get3A_58 = vector.load %arg3[%get3A_56, %get3A_57] : memref<1000x64xf32, #tpu.memory_space<vmem>>, vector<1000x64xf32>
    %reduce_max3A_59 = arith.constant dense<0xFF800000> : vector<64xf32>
    %reduce_max3A_60 = vector.multi_reduction <maximumf>, %get3A_58, %reduce_max3A_59 [0] : vector<1000x64xf32> to vector<64xf32>
    %broadcast_in_dim3A_61 = vector.shape_cast %reduce_max3A_60 : vector<64xf32> to vector<1x64xf32>
    %sub3A_62 = vector.broadcast %broadcast_in_dim3A_61 : vector<1x64xf32> to vector<1000x64xf32>
    %sub3A_63 = arith.subf %get3A_58, %sub3A_62 : vector<1000x64xf32>
    %exp3A_64 = math.exp %sub3A_63 : vector<1000x64xf32>
    %reduce_sum3A_65 = arith.constant dense<0.000000e+00> : vector<64xf32>
    %reduce_sum3A_66 = vector.multi_reduction <add>, %exp3A_64, %reduce_sum3A_65 [0] : vector<1000x64xf32> to vector<64xf32>
    %broadcast_in_dim3A_67 = vector.shape_cast %reduce_sum3A_66 : vector<64xf32> to vector<1x64xf32>
    %get3A_68 = arith.constant 2 : index
    %get3A_69 = arith.constant 0 : index
    %get3A_70 = vector.load %arg5[%get3A_68, %get3A_69] : memref<8x64xf32, #tpu.memory_space<vmem>>, vector<1x64xf32>
    %get3A_71 = arith.constant 2 : index
    %get3A_72 = arith.constant 0 : index
    %get3A_73 = vector.load %arg6[%get3A_71, %get3A_72] : memref<8x64xf32, #tpu.memory_space<vmem>>, vector<1x64xf32>
    %max3A_74 = arith.maximumf %get3A_70, %broadcast_in_dim3A_61 : vector<1x64xf32>
    %swap3A_75 = arith.constant 2 : index
    %swap3A_76 = arith.constant 0 : index
    %swap3A_77 = vector.load %arg5[%swap3A_75, %swap3A_76] : memref<8x64xf32, #tpu.memory_space<vmem>>, vector<1x64xf32>
    tpu.vector_store %arg5[%swap3A_75, %swap3A_76], %max3A_74 {strides = array<i32>} : memref<8x64xf32, #tpu.memory_space<vmem>>, vector<1x64xf32>,
    %sub3A_78 = arith.subf %get3A_70, %max3A_74 : vector<1x64xf32>
    %exp3A_79 = math.exp %sub3A_78 : vector<1x64xf32>
    %mul3A_80 = arith.mulf %get3A_73, %exp3A_79 : vector<1x64xf32>
    %sub3A_81 = arith.subf %broadcast_in_dim3A_61, %max3A_74 : vector<1x64xf32>
    %exp3A_82 = math.exp %sub3A_81 : vector<1x64xf32>
    %mul3A_83 = arith.mulf %broadcast_in_dim3A_67, %exp3A_82 : vector<1x64xf32>
    %add3A_84 = arith.addf %mul3A_80, %mul3A_83 : vector<1x64xf32>
    %swap3A_85 = arith.constant 2 : index
    %swap3A_86 = arith.constant 0 : index
    %swap3A_87 = vector.load %arg6[%swap3A_85, %swap3A_86] : memref<8x64xf32, #tpu.memory_space<vmem>>, vector<1x64xf32>
    tpu.vector_store %arg6[%swap3A_85, %swap3A_86], %add3A_84 {strides = array<i32>} : memref<8x64xf32, #tpu.memory_space<vmem>>, vector<1x64xf32>,
    %eq3A_88 = arith.constant 99 : i32
    %eq3A_89 = arith.cmpi eq, %arg0, %eq3A_88 : i32
    %convert_element_type3A_90 = arith.extui %eq3A_89 : i1 to i32
    %cond3A_91 = arith.constant 0 : i32
    %cond3A_92 = arith.cmpi ne, %convert_element_type3A_90, %cond3A_91 : i32
    scf.if %cond3A_92 {
      %get3A_93 = arith.constant 0 : index
      %get3A_94 = arith.constant 0 : index
      %get3A_95 = vector.load %arg5[%get3A_93, %get3A_94] : memref<8x64xf32, #tpu.memory_space<vmem>>, vector<8x64xf32>
      %get3A_96 = arith.constant 0 : index
      %get3A_97 = arith.constant 0 : index
      %get3A_98 = vector.load %arg6[%get3A_96, %get3A_97] : memref<8x64xf32, #tpu.memory_space<vmem>>, vector<8x64xf32>
      %log3A = math.log %get3A_98 : vector<8x64xf32>
      %add3A_99 = arith.addf %get3A_95, %log3A : vector<8x64xf32>
      %swap3A_100 = arith.constant 0 : index
      %swap3A_101 = arith.constant 0 : index
      %swap3A_102 = vector.load %arg4[%swap3A_100, %swap3A_101] : memref<8x64xf32, #tpu.memory_space<vmem>>, vector<8x64xf32>
      tpu.vector_store %arg4[%swap3A_100, %swap3A_101], %add3A_99 {strides = array<i32>} : memref<8x64xf32, #tpu.memory_space<vmem>>, vector<8x64xf32>,
    } else {
    }
    return
  }
  func.func @transform_0(%arg0: i32) -> (i32, i32) {
    %c0_i32 = arith.constant 0 : i32
    %c0_i32_0 = arith.constant 0 : i32
    return %arg0, %c0_i32 : i32, i32
  }
  func.func @transform_1(%arg0: i32) -> (i32, i32) {
    %c0_i32 = arith.constant 0 : i32
    %c0_i32_0 = arith.constant 0 : i32
    return %arg0, %c0_i32 : i32, i32
  }
  func.func @transform_2(%arg0: i32) -> (i32, i32) {
    %c0_i32 = arith.constant 0 : i32
    %c0_i32_0 = arith.constant 0 : i32
    return %arg0, %c0_i32 : i32, i32
  }
  func.func @transform_3(%arg0: i32) -> (i32, i32) {
    %c0_i32 = arith.constant 0 : i32
    %c0_i32_0 = arith.constant 0 : i32
    %c0_i32_1 = arith.constant 0 : i32
    return %c0_i32, %c0_i32_0 : i32, i32
  }
}

module attributes {stable_mosaic.version = 14 : i64} {
  func.func @_build_body(%arg0: i32, %arg1: memref<1000x64xf32, #tpu.memory_space<vmem>>, %arg2: memref<1000x64xf32, #tpu.memory_space<vmem>>, %arg3: memref<1000x64xf32, #tpu.memory_space<vmem>>, %arg4: memref<8x64xf32, #tpu.memory_space<vmem>>, %arg5: memref<3x1000x64xf32, #tpu.memory_space<vmem>>) attributes {dimension_semantics = [#tpu.dimension_semantics<arbitrary>], iteration_bounds = array<i64: 100>, scalar_prefetch = 0 : i64, scratch_operands = 0 : i64, tpu.core_type = #tpu.core_type<tc>, window_params = [{transform_indices = @transform_0, window_bounds = array<i64: 1000, 64>}, {transform_indices = @transform_1, window_bounds = array<i64: 1000, 64>}, {transform_indices = @transform_2, window_bounds = array<i64: 1000, 64>}, {pipeline_mode = #tpu.pipeline_mode<synchronous>, transform_indices = @transform_3, window_bounds = array<i64: 8, 64>}, {transform_indices = @transform_4, window_bounds = array<i64: 3, 1000, 64>}]} {
    %iota3A = tpu.iota {dimensions = array<i32: 0>} : vector<1000x1xi32>
    %mul3A = arith.constant 1000 : i32
    %mul3A_0 = arith.muli %arg0, %mul3A : i32
    %add3A = vector.broadcast %mul3A_0 : i32 to vector<1000x1xi32>
    %add3A_1 = arith.addi %iota3A, %add3A : vector<1000x1xi32>
    %get3A = arith.constant 0 : index
    %get3A_2 = arith.constant 0 : index
    %get3A_3 = vector.load %arg1[%get3A, %get3A_2] : memref<1000x64xf32, #tpu.memory_space<vmem>>, vector<1000x64xf32>
    %get3A_4 = arith.constant 0 : index
    %get3A_5 = arith.constant 0 : index
    %get3A_6 = vector.load %arg4[%get3A_4, %get3A_5] : memref<8x64xf32, #tpu.memory_space<vmem>>, vector<1x64xf32>
    %sub3A = vector.broadcast %get3A_6 : vector<1x64xf32> to vector<1000x64xf32>
    %sub3A_7 = arith.subf %get3A_3, %sub3A : vector<1000x64xf32>
    %eq3A = arith.constant 0 : i32
    %eq3A_8 = vector.broadcast %eq3A : i32 to vector<1000x1xi32>
    %eq3A_9 = arith.cmpi eq, %add3A_1, %eq3A_8 : vector<1000x1xi32>
    %jit3A = arith.constant 0.000000e+00 : f32
    %broadcast_in_dim3A = vector.shape_cast %eq3A_9 : vector<1000x1xi1> to vector<1000x1xi1>
    %broadcast_in_dim3A_10 = vector.broadcast %broadcast_in_dim3A : vector<1000x1xi1> to vector<1000x64xi1>
    %broadcast_in_dim3A_11 = vector.broadcast %jit3A : f32 to vector<1000x64xf32>
    %select_n3A = arith.select %broadcast_in_dim3A_10, %broadcast_in_dim3A_11, %sub3A_7 : vector<1000x64xi1>, vector<1000x64xf32>
    %eq3A_12 = arith.constant 1 : i32
    %eq3A_13 = vector.broadcast %eq3A_12 : i32 to vector<1000x1xi32>
    %eq3A_14 = arith.cmpi eq, %add3A_1, %eq3A_13 : vector<1000x1xi32>
    %jit3A_15 = arith.constant -1.000000e+06 : f32
    %broadcast_in_dim3A_16 = vector.shape_cast %eq3A_14 : vector<1000x1xi1> to vector<1000x1xi1>
    %broadcast_in_dim3A_17 = vector.broadcast %broadcast_in_dim3A_16 : vector<1000x1xi1> to vector<1000x64xi1>
    %broadcast_in_dim3A_18 = vector.broadcast %jit3A_15 : f32 to vector<1000x64xf32>
    %select_n3A_19 = arith.select %broadcast_in_dim3A_17, %broadcast_in_dim3A_18, %select_n3A : vector<1000x64xi1>, vector<1000x64xf32>
    %swap3A = arith.constant 0 : index
    %swap3A_20 = arith.constant 0 : index
    %swap3A_21 = arith.constant 0 : index
    %swap3A_22 = vector.load %arg5[%swap3A, %swap3A_20, %swap3A_21] : memref<3x1000x64xf32, #tpu.memory_space<vmem>>, vector<1x1000x64xf32>
    %swap3A_23 = vector.shape_cast %swap3A_22 : vector<1x1000x64xf32> to vector<1000x64xf32>
    %swap3A_24 = vector.shape_cast %select_n3A_19 : vector<1000x64xf32> to vector<1x1000x64xf32>
    tpu.vector_store %arg5[%swap3A, %swap3A_20, %swap3A_21], %swap3A_24 {strides = array<i32>} : memref<3x1000x64xf32, #tpu.memory_space<vmem>>, vector<1x1000x64xf32>,
    %get3A_25 = arith.constant 0 : index
    %get3A_26 = arith.constant 0 : index
    %get3A_27 = vector.load %arg2[%get3A_25, %get3A_26] : memref<1000x64xf32, #tpu.memory_space<vmem>>, vector<1000x64xf32>
    %get3A_28 = arith.constant 1 : index
    %get3A_29 = arith.constant 0 : index
    %get3A_30 = vector.load %arg4[%get3A_28, %get3A_29] : memref<8x64xf32, #tpu.memory_space<vmem>>, vector<1x64xf32>
    %sub3A_31 = vector.broadcast %get3A_30 : vector<1x64xf32> to vector<1000x64xf32>
    %sub3A_32 = arith.subf %get3A_27, %sub3A_31 : vector<1000x64xf32>
    %eq3A_33 = arith.constant 0 : i32
    %eq3A_34 = vector.broadcast %eq3A_33 : i32 to vector<1000x1xi32>
    %eq3A_35 = arith.cmpi eq, %add3A_1, %eq3A_34 : vector<1000x1xi32>
    %jit3A_36 = arith.constant 0.000000e+00 : f32
    %broadcast_in_dim3A_37 = vector.shape_cast %eq3A_35 : vector<1000x1xi1> to vector<1000x1xi1>
    %broadcast_in_dim3A_38 = vector.broadcast %broadcast_in_dim3A_37 : vector<1000x1xi1> to vector<1000x64xi1>
    %broadcast_in_dim3A_39 = vector.broadcast %jit3A_36 : f32 to vector<1000x64xf32>
    %select_n3A_40 = arith.select %broadcast_in_dim3A_38, %broadcast_in_dim3A_39, %sub3A_32 : vector<1000x64xi1>, vector<1000x64xf32>
    %eq3A_41 = arith.constant 1 : i32
    %eq3A_42 = vector.broadcast %eq3A_41 : i32 to vector<1000x1xi32>
    %eq3A_43 = arith.cmpi eq, %add3A_1, %eq3A_42 : vector<1000x1xi32>
    %jit3A_44 = arith.constant -1.000000e+06 : f32
    %broadcast_in_dim3A_45 = vector.shape_cast %eq3A_43 : vector<1000x1xi1> to vector<1000x1xi1>
    %broadcast_in_dim3A_46 = vector.broadcast %broadcast_in_dim3A_45 : vector<1000x1xi1> to vector<1000x64xi1>
    %broadcast_in_dim3A_47 = vector.broadcast %jit3A_44 : f32 to vector<1000x64xf32>
    %select_n3A_48 = arith.select %broadcast_in_dim3A_46, %broadcast_in_dim3A_47, %select_n3A_40 : vector<1000x64xi1>, vector<1000x64xf32>
    %swap3A_49 = arith.constant 1 : index
    %swap3A_50 = arith.constant 0 : index
    %swap3A_51 = arith.constant 0 : index
    %swap3A_52 = vector.load %arg5[%swap3A_49, %swap3A_50, %swap3A_51] : memref<3x1000x64xf32, #tpu.memory_space<vmem>>, vector<1x1000x64xf32>
    %swap3A_53 = vector.shape_cast %swap3A_52 : vector<1x1000x64xf32> to vector<1000x64xf32>
    %swap3A_54 = vector.shape_cast %select_n3A_48 : vector<1000x64xf32> to vector<1x1000x64xf32>
    tpu.vector_store %arg5[%swap3A_49, %swap3A_50, %swap3A_51], %swap3A_54 {strides = array<i32>} : memref<3x1000x64xf32, #tpu.memory_space<vmem>>, vector<1x1000x64xf32>,
    %get3A_55 = arith.constant 0 : index
    %get3A_56 = arith.constant 0 : index
    %get3A_57 = vector.load %arg3[%get3A_55, %get3A_56] : memref<1000x64xf32, #tpu.memory_space<vmem>>, vector<1000x64xf32>
    %get3A_58 = arith.constant 2 : index
    %get3A_59 = arith.constant 0 : index
    %get3A_60 = vector.load %arg4[%get3A_58, %get3A_59] : memref<8x64xf32, #tpu.memory_space<vmem>>, vector<1x64xf32>
    %sub3A_61 = vector.broadcast %get3A_60 : vector<1x64xf32> to vector<1000x64xf32>
    %sub3A_62 = arith.subf %get3A_57, %sub3A_61 : vector<1000x64xf32>
    %eq3A_63 = arith.constant 0 : i32
    %eq3A_64 = vector.broadcast %eq3A_63 : i32 to vector<1000x1xi32>
    %eq3A_65 = arith.cmpi eq, %add3A_1, %eq3A_64 : vector<1000x1xi32>
    %jit3A_66 = arith.constant 0.000000e+00 : f32
    %broadcast_in_dim3A_67 = vector.shape_cast %eq3A_65 : vector<1000x1xi1> to vector<1000x1xi1>
    %broadcast_in_dim3A_68 = vector.broadcast %broadcast_in_dim3A_67 : vector<1000x1xi1> to vector<1000x64xi1>
    %broadcast_in_dim3A_69 = vector.broadcast %jit3A_66 : f32 to vector<1000x64xf32>
    %select_n3A_70 = arith.select %broadcast_in_dim3A_68, %broadcast_in_dim3A_69, %sub3A_62 : vector<1000x64xi1>, vector<1000x64xf32>
    %eq3A_71 = arith.constant 1 : i32
    %eq3A_72 = vector.broadcast %eq3A_71 : i32 to vector<1000x1xi32>
    %eq3A_73 = arith.cmpi eq, %add3A_1, %eq3A_72 : vector<1000x1xi32>
    %jit3A_74 = arith.constant -1.000000e+06 : f32
    %broadcast_in_dim3A_75 = vector.shape_cast %eq3A_73 : vector<1000x1xi1> to vector<1000x1xi1>
    %broadcast_in_dim3A_76 = vector.broadcast %broadcast_in_dim3A_75 : vector<1000x1xi1> to vector<1000x64xi1>
    %broadcast_in_dim3A_77 = vector.broadcast %jit3A_74 : f32 to vector<1000x64xf32>
    %select_n3A_78 = arith.select %broadcast_in_dim3A_76, %broadcast_in_dim3A_77, %select_n3A_70 : vector<1000x64xi1>, vector<1000x64xf32>
    %swap3A_79 = arith.constant 2 : index
    %swap3A_80 = arith.constant 0 : index
    %swap3A_81 = arith.constant 0 : index
    %swap3A_82 = vector.load %arg5[%swap3A_79, %swap3A_80, %swap3A_81] : memref<3x1000x64xf32, #tpu.memory_space<vmem>>, vector<1x1000x64xf32>
    %swap3A_83 = vector.shape_cast %swap3A_82 : vector<1x1000x64xf32> to vector<1000x64xf32>
    %swap3A_84 = vector.shape_cast %select_n3A_78 : vector<1000x64xf32> to vector<1x1000x64xf32>
    tpu.vector_store %arg5[%swap3A_79, %swap3A_80, %swap3A_81], %swap3A_84 {strides = array<i32>} : memref<3x1000x64xf32, #tpu.memory_space<vmem>>, vector<1x1000x64xf32>,
    return
  }
  func.func @transform_0(%arg0: i32) -> (i32, i32) {
    %c0_i32 = arith.constant 0 : i32
    %c0_i32_0 = arith.constant 0 : i32
    return %arg0, %c0_i32 : i32, i32
  }
  func.func @transform_1(%arg0: i32) -> (i32, i32) {
    %c0_i32 = arith.constant 0 : i32
    %c0_i32_0 = arith.constant 0 : i32
    return %arg0, %c0_i32 : i32, i32
  }
  func.func @transform_2(%arg0: i32) -> (i32, i32) {
    %c0_i32 = arith.constant 0 : i32
    %c0_i32_0 = arith.constant 0 : i32
    return %arg0, %c0_i32 : i32, i32
  }
  func.func @transform_3(%arg0: i32) -> (i32, i32) {
    %c0_i32 = arith.constant 0 : i32
    %c0_i32_0 = arith.constant 0 : i32
    %c0_i32_1 = arith.constant 0 : i32
    return %c0_i32, %c0_i32_0 : i32, i32
  }
  func.func @transform_4(%arg0: i32) -> (i32, i32, i32) {
    %c0_i32 = arith.constant 0 : i32
    %c0_i32_0 = arith.constant 0 : i32
    %c0_i32_1 = arith.constant 0 : i32
    return %c0_i32, %arg0, %c0_i32_0 : i32, i32, i32
  }
}

module attributes {stable_mosaic.version = 14 : i64} {
  func.func @_asm_body(%arg0: i32, %arg1: i32, %arg2: memref<2x1x512x128xf32, #tpu.memory_space<vmem>>, %arg3: memref<2x1x64x1024xf32, #tpu.memory_space<vmem>>) attributes {dimension_semantics = [#tpu.dimension_semantics<arbitrary>, #tpu.dimension_semantics<arbitrary>], iteration_bounds = array<i64: 5, 100>, scalar_prefetch = 0 : i64, scratch_operands = 0 : i64, tpu.core_type = #tpu.core_type<tc>, window_params = [{transform_indices = @transform_0, window_bounds = array<i64: 2, 1, 512, 128>}, {transform_indices = @transform_1, window_bounds = array<i64: 2, 1, 64, 1024>}]} {
    %lt3A = arith.constant 2 : i32
    %lt3A_0 = arith.cmpi slt, %arg0, %lt3A : i32
    %convert_element_type3A = arith.extui %lt3A_0 : i1 to i32
    %cond3A = arith.constant 0 : i32
    %cond3A_1 = arith.cmpi ne, %convert_element_type3A, %cond3A : i32
    scf.if %cond3A_1 {
      %broadcast_in_dim3A = arith.constant 0.000000e+00 : f32
      %broadcast_in_dim3A_6 = vector.broadcast %broadcast_in_dim3A : f32 to vector<2x1x64x1024xf32>
      %swap3A = arith.constant 0 : index
      %swap3A_7 = arith.constant 0 : index
      %swap3A_8 = arith.constant 0 : index
      %swap3A_9 = arith.constant 0 : index
      %swap3A_10 = vector.load %arg3[%swap3A, %swap3A_7, %swap3A_8, %swap3A_9] : memref<2x1x64x1024xf32, #tpu.memory_space<vmem>>, vector<2x1x64x1024xf32>
      tpu.vector_store %arg3[%swap3A, %swap3A_7, %swap3A_8, %swap3A_9], %broadcast_in_dim3A_6 {strides = array<i32>} : memref<2x1x64x1024xf32, #tpu.memory_space<vmem>>, vector<2x1x64x1024xf32>,
    } else {
    }
    %ge3A = arith.constant 2 : i32
    %ge3A_2 = arith.cmpi sge, %arg0, %ge3A : i32
    %convert_element_type3A_3 = arith.extui %ge3A_2 : i1 to i32
    %cond3A_4 = arith.constant 0 : i32
    %cond3A_5 = arith.cmpi ne, %convert_element_type3A_3, %cond3A_4 : i32
    scf.if %cond3A_5 {
      %iota3A = tpu.iota {dimensions = array<i32: 0>} : vector<64x64xi32>
      %iota3A_6 = tpu.iota {dimensions = array<i32: 1>} : vector<64x64xi32>
      %eq3A = arith.cmpi eq, %iota3A, %iota3A_6 : vector<64x64xi32>
      %convert_element_type3A_7 = arith.extui %eq3A : vector<64x64xi1> to vector<64x64xi32>
      %convert_element_type3A_8 = arith.sitofp %convert_element_type3A_7 : vector<64x64xi32> to vector<64x64xf32>
      %get3A = arith.constant 0 : index
      %get3A_9 = arith.constant 0 : index
      %get3A_10 = arith.constant 0 : index
      %get3A_11 = arith.constant 0 : index
      %get3A_12 = vector.load %arg2[%get3A, %get3A_9, %get3A_10, %get3A_11] : memref<2x1x512x128xf32, #tpu.memory_space<vmem>>, vector<1x1x512x128xf32>
      %get3A_13 = vector.shape_cast %get3A_12 : vector<1x1x512x128xf32> to vector<512x128xf32>
      %slice3A = vector.extract_strided_slice %get3A_13 {offsets = [0, 0], sizes = [512, 64], strides = [1, 1]} : vector<512x128xf32> to vector<512x64xf32>
      %dot_general3A = arith.constant dense<0.000000e+00> : vector<64x512xf32>
      %dot_general3A_14 = tpu.matmul %convert_element_type3A_8, %slice3A, %dot_general3A {dimension_numbers = #tpu.dot_dimension_numbers<[1], [1], [0], [0], [0, 0, 1, 0], [], []>, precision = #tpu.contract_precision<fp32>, transpose_lhs_hint = false} : vector<64x64xf32>, vector<512x64xf32>, vector<64x512xf32> -> vector<64x512xf32>
      %slice3A_15 = vector.extract_strided_slice %get3A_13 {offsets = [0, 64], sizes = [512, 64], strides = [1, 1]} : vector<512x128xf32> to vector<512x64xf32>
      %dot_general3A_16 = arith.constant dense<0.000000e+00> : vector<64x512xf32>
      %dot_general3A_17 = tpu.matmul %convert_element_type3A_8, %slice3A_15, %dot_general3A_16 {dimension_numbers = #tpu.dot_dimension_numbers<[1], [1], [0], [0], [0, 0, 1, 0], [], []>, precision = #tpu.contract_precision<fp32>, transpose_lhs_hint = false} : vector<64x64xf32>, vector<512x64xf32>, vector<64x512xf32> -> vector<64x512xf32>
      %concatenate3A = tpu.concatenate %dot_general3A_14, %dot_general3A_17 in 1 : vector<64x512xf32>, vector<64x512xf32> -> vector<64x1024xf32>
      %swap3A = arith.constant 0 : index
      %swap3A_18 = arith.constant 0 : index
      %swap3A_19 = arith.constant 0 : index
      %swap3A_20 = arith.constant 0 : index
      %swap3A_21 = vector.load %arg3[%swap3A, %swap3A_18, %swap3A_19, %swap3A_20] : memref<2x1x64x1024xf32, #tpu.memory_space<vmem>>, vector<1x1x64x1024xf32>
      %swap3A_22 = vector.shape_cast %swap3A_21 : vector<1x1x64x1024xf32> to vector<64x1024xf32>
      %swap3A_23 = vector.shape_cast %concatenate3A : vector<64x1024xf32> to vector<1x1x64x1024xf32>
      tpu.vector_store %arg3[%swap3A, %swap3A_18, %swap3A_19, %swap3A_20], %swap3A_23 {strides = array<i32>} : memref<2x1x64x1024xf32, #tpu.memory_space<vmem>>, vector<1x1x64x1024xf32>,
      %get3A_24 = arith.constant 1 : index
      %get3A_25 = arith.constant 0 : index
      %get3A_26 = arith.constant 0 : index
      %get3A_27 = arith.constant 0 : index
      %get3A_28 = vector.load %arg2[%get3A_24, %get3A_25, %get3A_26, %get3A_27] : memref<2x1x512x128xf32, #tpu.memory_space<vmem>>, vector<1x1x512x128xf32>
      %get3A_29 = vector.shape_cast %get3A_28 : vector<1x1x512x128xf32> to vector<512x128xf32>
      %slice3A_30 = vector.extract_strided_slice %get3A_29 {offsets = [0, 0], sizes = [512, 64], strides = [1, 1]} : vector<512x128xf32> to vector<512x64xf32>
      %dot_general3A_31 = arith.constant dense<0.000000e+00> : vector<64x512xf32>
      %dot_general3A_32 = tpu.matmul %convert_element_type3A_8, %slice3A_30, %dot_general3A_31 {dimension_numbers = #tpu.dot_dimension_numbers<[1], [1], [0], [0], [0, 0, 1, 0], [], []>, precision = #tpu.contract_precision<fp32>, transpose_lhs_hint = false} : vector<64x64xf32>, vector<512x64xf32>, vector<64x512xf32> -> vector<64x512xf32>
      %slice3A_33 = vector.extract_strided_slice %get3A_29 {offsets = [0, 64], sizes = [512, 64], strides = [1, 1]} : vector<512x128xf32> to vector<512x64xf32>
      %dot_general3A_34 = arith.constant dense<0.000000e+00> : vector<64x512xf32>
      %dot_general3A_35 = tpu.matmul %convert_element_type3A_8, %slice3A_33, %dot_general3A_34 {dimension_numbers = #tpu.dot_dimension_numbers<[1], [1], [0], [0], [0, 0, 1, 0], [], []>, precision = #tpu.contract_precision<fp32>, transpose_lhs_hint = false} : vector<64x64xf32>, vector<512x64xf32>, vector<64x512xf32> -> vector<64x512xf32>
      %concatenate3A_36 = tpu.concatenate %dot_general3A_32, %dot_general3A_35 in 1 : vector<64x512xf32>, vector<64x512xf32> -> vector<64x1024xf32>
      %swap3A_37 = arith.constant 1 : index
      %swap3A_38 = arith.constant 0 : index
      %swap3A_39 = arith.constant 0 : index
      %swap3A_40 = arith.constant 0 : index
      %swap3A_41 = vector.load %arg3[%swap3A_37, %swap3A_38, %swap3A_39, %swap3A_40] : memref<2x1x64x1024xf32, #tpu.memory_space<vmem>>, vector<1x1x64x1024xf32>
      %swap3A_42 = vector.shape_cast %swap3A_41 : vector<1x1x64x1024xf32> to vector<64x1024xf32>
      %swap3A_43 = vector.shape_cast %concatenate3A_36 : vector<64x1024xf32> to vector<1x1x64x1024xf32>
      tpu.vector_store %arg3[%swap3A_37, %swap3A_38, %swap3A_39, %swap3A_40], %swap3A_43 {strides = array<i32>} : memref<2x1x64x1024xf32, #tpu.memory_space<vmem>>, vector<1x1x64x1024xf32>,
    } else {
    }
    return
  }
  func.func @transform_0(%arg0: i32, %arg1: i32) -> (i32, i32, i32, i32) {
    %lt3A = arith.constant 2 : i32
    %lt3A_0 = arith.cmpi slt, %arg0, %lt3A : i32
    %jit3A = arith.constant 0 : i32
    %select_n3A = arith.select %lt3A_0, %jit3A, %arg1 : i32
    %sub3A = arith.constant 2 : i32
    %sub3A_1 = arith.subi %arg0, %sub3A : i32
    %max3A = arith.constant 0 : i32
    %max3A_2 = arith.maxsi %sub3A_1, %max3A : i32
    %c0_i32 = arith.constant 0 : i32
    %c0_i32_3 = arith.constant 0 : i32
    %c0_i32_4 = arith.constant 0 : i32
    return %select_n3A, %max3A_2, %c0_i32, %c0_i32_3 : i32, i32, i32, i32
  }
  func.func @transform_1(%arg0: i32, %arg1: i32) -> (i32, i32, i32, i32) {
    %c0_i32 = arith.constant 0 : i32
    %c0_i32_0 = arith.constant 0 : i32
    %c0_i32_1 = arith.constant 0 : i32
    return %arg1, %arg0, %c0_i32, %c0_i32_0 : i32, i32, i32, i32
  }
}

</mosaic_0001>

<sc_bundles>
// kernel: kernel.6.cloned.1.call-start
scs
__scs_entry_jumppad:
0x0: {  	(pc) =	sbr.rel $0x88, $3  }
0x1: {  	(tag) =	ssettag $0x0;
	lr =	simm.s32 $0x1  }
0x2: {  	[smem:$0x3F9B] =	sst lr;
	_ =	strace $0xD0000000  }
0x3: {  	_ = 	snop  }
0x4: {  	_ = 	snop  }
0x5: {  	_ = 	snop  }
0x6: {  	_ = 	snop  }
0x7: {  	_ = 	snop  }
__scs_overlays_trampoline_lowered:
0x8: {  	[smem:$0x3FAA] =	sst s0  }
0x9: {  	[smem:$0x3FAB] =	sst s1  }
0xa: {  	[smem:$0x3FAC] =	sst s2  }
0xb: {  	[smem:$0x3FAD] =	sst s3  }
0xc: {  	[smem:$0x3FAE] =	sst s4  }
0xd: {  	[smem:$0x3FAF] =	sst s5  }
0xe: {  	[smem:$0x3FB0] =	sst s6  }
0xf: {  	[smem:$0x3FB1] =	sst s7  }
0x10: {  	[smem:$0x3FB2] =	sst s8  }
0x11: {  	[smem:$0x3FB3] =	sst s9;
	s0 =	simm.s32 @!p0 $0x0  }
0x12: {  	s1 =	sld [smem:$0x3F99];
	s0 =	simm.s32 @p0 $0x1  }
0x13: {  	[smem:$0x3FB4] =	sst s0;
	s0 =	simm.s32 @!p1 $0x0  }
0x14: {  	s2 =	sld [smem:$0x3F98];
	s0 =	simm.s32 @p1 $0x1  }
0x15: {  	[smem:$0x3FB5] =	sst s0;
	s0 =	simm.s32 @!p2 $0x0  }
0x16: {  	s3 =	sld [smem:$0x3FDB];
	s0 =	simm.s32 @p2 $0x1  }
0x17: {  	s4 =	simm.s32 $0x1BF5;
	[smem:$0x3FB7] =	sst s0  }
0x18: {  	s0 =	sld [smem:$0x3F9A];
	_ =	swait.ge [sflag:s4], $0x0  }
0x19: {  	s7 =	sld [smem:$0x3F9B]  }
0x1a: {  	s8 =	sadd.s32 $0xFFFFE003, lr  }
0x1b: {  	s9 =	sadd.s32 $0xFFFFFEF7, lr;
	s5 =	simm.s32 $0xFFFFFFFF;
	p2 =	slt.u32 s8, $0xFFFFF086  }
0x1c: {  	p1 =	slt.u32 s9, $0xF7A;
	s5 =	simm.s32 @!p2 $0x0  }
0x1d: {  	s5 =	simm.s32 @p1 $0x1;
	p0 =	seq.s32 s7, s2  }
0x1e: {  	s7 =	smul.u32 @!p0 $0xF7A, s2;
	p2 =	seq.s32 @!p0 s5, $0x0  }
0x1f: {  	s9 =	smul.u32 $0xF7A, s1;
	s8 =	simm.s32 @!p0 $0x1BF5;
	p2 =	por !p2, p0  }
0x20: {  	[sflag:s8] =	ssyncset.s32 @!p0 $0xFFFFF086;
	s6 =	sadd.s32 @!p0 s3, s7;
	s7 =	simm.s32 @!p0 $0x108  }
0x21: {  	s3 =	sadd.s32 s3, s9;
	s6 =	sadd.s32 @!p0 $0x88, s6;
	s7 =	simm.s32 @p2 $0x1082  }
0x22: {  	[simem:s7], [sflag:s8] =	dma.local @!p0 [hbm:s6], $0xF7A  }
0x23: {  	s9 =	sor.u32 $0xD0000000, s2;
	s6 =	simm.s32 $0x108;
	_ =	swait.ge @!p0 [sflag:s8], $0x0  }
0x24: {  	s3 =	sadd.s32 $0x88, s3;
	s6 =	simm.s32 @!p1 $0x1082;
	[sflag:s4] =	ssyncset.s32 $0xFFFFF086  }
0x25: {  	[simem:s6], [sflag:s4] =	dma.local [hbm:s3], $0xF7A  }
0x26: {  	[smem:$0x3F9B] =	sst s1;
	(tag) =	ssettag s2;
	_ =	strace s9  }
0x27: {  	s1 =	sld [smem:$0x3FAB]  }
0x28: {  	s2 =	sld [smem:$0x3FAC]  }
0x29: {  	s4 =	sld [smem:$0x3FAE]  }
0x2a: {  	p0 =	seq.s32 s5, $0x0;
	s5 =	sld [smem:$0x3FAF]  }
0x2b: {  	s6 =	sld [smem:$0x3FB0]  }
0x2c: {  	s7 =	sld [smem:$0x3FB1]  }
0x2d: {  	s3 =	simm.s32 $0x108;
	s8 =	sld [smem:$0x3FB2]  }
0x2e: {  	s3 =	simm.s32 @!p0 $0x1082;
	s9 =	sld [smem:$0x3FB3]  }
0x2f: {  	lr =	sadd.s32 s0, s3;
	s0 =	sld [smem:$0x3FAA]  }
0x30: {  	s3 =	sld [smem:$0x3FAD]  }
0x31: {  	[smem:$0x3FB6] =	sst s10  }
0x32: {  	s10 =	sld [smem:$0x3FB4];
	_ =	sdelay $0x3  }
0x33: {  	p0 =	seq.s32 s10, $0x1;
	s10 =	sld [smem:$0x3FB6];
	_ =	sdelay $0x3  }
0x34: {  	[smem:$0x3FB6] =	sst s10  }
0x35: {  	s10 =	sld [smem:$0x3FB5];
	_ =	sdelay $0x3  }
0x36: {  	p1 =	seq.s32 s10, $0x1;
	s10 =	sld [smem:$0x3FB6];
	_ =	sdelay $0x3  }
0x37: {  	[smem:$0x3FB6] =	sst s10  }
0x38: {  	s10 =	sld [smem:$0x3FB7]  }
0x39: {  	_ = 	snop;
	(pc) =	sbr.ind lr, $3  }
0x3a: {  	_ = 	snop  }
0x3b: {  	_ = 	snop  }
0x3c: {  	p2 =	seq.s32 s10, $0x1;
	s10 =	sld [smem:$0x3FB6]  }
0x3d: {  	_ =	shalt  }
0x3e: {  	_ =	shalt  }
0x3f: {  	_ =	shalt  }
0x40: {  	_ =	shalt  }
0x41: {  	_ =	shalt  }
0x42: {  	_ =	shalt  }
0x43: {  	_ =	shalt  }
0x44: {  	_ =	shalt  }
0x45: {  	_ =	shalt  }
0x46: {  	_ =	shalt  }
0x47: {  	_ =	shalt  }
0x48: {  	_ =	shalt  }
0x49: {  	_ =	shalt  }
0x4a: {  	_ =	shalt  }
0x4b: {  	_ =	shalt  }
0x4c: {  	_ =	shalt  }
0x4d: {  	_ =	shalt  }
0x4e: {  	_ =	shalt  }
0x4f: {  	_ =	shalt  }
0x50: {  	_ =	shalt  }
0x51: {  	_ =	shalt  }
0x52: {  	_ =	shalt  }
0x53: {  	_ =	shalt  }
0x54: {  	_ =	shalt  }
0x55: {  	_ =	shalt  }
0x56: {  	_ =	shalt  }
0x57: {  	_ =	shalt  }
0x58: {  	_ =	shalt  }
0x59: {  	_ =	shalt  }
0x5a: {  	_ =	shalt  }
0x5b: {  	_ =	shalt  }
0x5c: {  	_ =	shalt  }
0x5d: {  	_ =	shalt  }
0x5e: {  	_ =	shalt  }
0x5f: {  	_ =	shalt  }
0x60: {  	_ =	shalt  }
0x61: {  	_ =	shalt  }
0x62: {  	_ =	shalt  }
0x63: {  	_ =	shalt  }
0x64: {  	_ =	shalt  }
0x65: {  	_ =	shalt  }
0x66: {  	_ =	shalt  }
0x67: {  	_ =	shalt  }
0x68: {  	_ =	shalt  }
0x69: {  	_ =	shalt  }
0x6a: {  	_ =	shalt  }
0x6b: {  	_ =	shalt  }
0x6c: {  	_ =	shalt  }
0x6d: {  	_ =	shalt  }
0x6e: {  	_ =	shalt  }
0x6f: {  	_ =	shalt  }
0x70: {  	_ =	shalt  }
0x71: {  	_ =	shalt  }
0x72: {  	_ =	shalt  }
0x73: {  	_ =	shalt  }
0x74: {  	_ =	shalt  }
0x75: {  	_ =	shalt  }
0x76: {  	_ =	shalt  }
0x77: {  	_ =	shalt  }
0x78: {  	_ =	shalt  }
0x79: {  	_ =	shalt  }
0x7a: {  	_ =	shalt  }
0x7b: {  	_ =	shalt  }
0x7c: {  	_ =	shalt  }
0x7d: {  	_ =	shalt  }
0x7e: {  	_ =	shalt  }
0x7f: {  	_ =	shalt  }
0x80: {  	_ =	shalt  }
0x81: {  	_ =	shalt  }
0x82: {  	_ =	shalt  }
0x83: {  	_ =	shalt  }
0x84: {  	_ =	shalt  }
0x85: {  	_ =	shalt  }
0x86: {  	_ =	shalt  }
0x87: {  	_ =	shalt  }
.Lfunc_end0:
.L_simem_size_0:
called_computation_lowered:
.L_overlay_start_0:
0x88: {  	s2 =	sld [smem:$0x3FD9]  }
0x89: {  	s3 =	sld [smem:$0x3FFE];
	_ =	sdelay $0x1  }
0x8a: {  	s1 =	srdreg.scid  }
0x8b: {  	s0 =	sand.u32 $0x1, s1  }
0x8c: {  	s16 =	sshll.u32 s0, $0xA;
	s2 =	sadd.s32 s3, s2  }
0x8d: {  	s2 =	sadd.s32 s2, s16  }
0x8e: {  	[smem:$0x3FC2] =	sst s2  }
0x8f: {  	_ = 	snop  }
0x90: {  	(tm) =	ssettm $0x1  }
0x91: {  	s17 =	sld [smem:$0x3FFB];
	_ =	sdelay $0x3  }
0x92: {  	_ =	strace s17  }
0x93: {  	s2 =	sld [smem:$0x3FFC];
	_ =	sdelay $0x3  }
0x94: {  	_ =	strace s2  }
0x95: {  	s2 =	sld [smem:$0x3FFD];
	_ =	sdelay $0x3  }
0x96: {  	_ =	strace s2  }
0x97: {  	_ =	strace $0x8FFFFFFF  }
0x98: {  	s18 =	sld [smem:$0x3FDB];
	_ =	sdelay $0x1  }
0x99: {  	s19 =	simm.s32 $_scs_section_size  }
0x9a: {  	s4 =	simm.s32 $_size__tile_overlayer_lowered;
	s5 =	simm.s32 $_tile_overlayer_lowered  }
0x9b: {  	s22 =	simm.s32 $0x1BFF;
	s21 =	sshll.u32 s5, $0x1;
	s2 =	sadd.s32 s19, s18  }
0x9c: {  	s6 =	simm.s32 $0x0;
	s20 =	sshll.u32 s4, $0x1;
	s4 =	sadd.s32 s21, s2  }
0x9d: {  	[timem:s6], [sflag:s22] =	dma.local [hbm:s4], s20  }
0x9e: {  	_ =	swait.ge [sflag:s22], s20  }
0x9f: {  	s3 =	ssub.s32 $0x0, s20;
	[sflag:s22] =	ssyncset.done $0x0  }
0xa0: {  	[sflag:s22] =	ssyncadd.s32 s3;
	_ =	sdelay $0x1  }
0xa1: {  	s23 =	simm.s32 $0x1B8B  }
0xa2: {  	_ =	swait.ge [sflag:s23], $0x1  }
0xa3: {  	[sflag:s23] =	ssyncset.done $0x0  }
0xa4: {  	s25 =	simm.s32 $0x1B8E;
	s24 =	sld [smem:$0x3FFE];
	[sflag:s23] =	ssyncadd.s32 $0xFFFFFFFF  }
0xa5: {  	s26 =	simm.s32 $execute0_lowered;
	[smem:$0x3FD2] =	sst s25  }
0xa6: {  	s4 =	sshll.u32 s26, $0x1;
	_ =	strace $0x80000046;
	[dreg:$0x1] =	wrdreg $0xFFFFFFFF  }
0xa7: {  	s28 =	simm.s32 $_size_execute0_lowered;
	s2 =	sadd.s32 s2, s4;
	[dreg:$0x0] =	wrdreg $0x0  }
0xa8: {  	s4 =	sshll.u32 s28, $0x1;
	[dreg:$0x2] =	wrdreg s2  }
0xa9: {  	[dreg:$0x3] =	wrdreg s4  }
0xaa: {  	[dreg:$0x4] =	wrdreg $0xC0  }
0xab: {  	_ =	task [dreg:s6], $0x5FFFF  }
0xac: {  	[dreg:$0x1] =	wrdreg $0xFFFFFFFF  }
0xad: {  	[dreg:$0x0] =	wrdreg $0x60  }
0xae: {  	[dreg:$0x2] =	wrdreg s24  }
0xaf: {  	[dreg:$0x3] =	wrdreg $0x9  }
0xb0: {  	_ =	task.clear_ibuf [dreg:s6], $0x4FFFF;
	_ =	strace $0x90000046  }
0xb1: {  	s29 =	simm.s32 $0x9;
	_ =	strace $0x80000048  }
0xb2: {  	_ =	swait.ge [sflag:s29], $0x1  }
0xb3: {  	[sflag:s29] =	ssyncadd.s32 $0xFFFFFFFF  }
0xb4: {  	_ =	strace $0x90000048  }
0xb5: {  	_ =	sfence  }
0xb6: {  	s30 =	sld [smem:$0x0];
	_ =	sdelay $0x2  }
0xb7: {  	s31 =	sshll.u32 s1, $0xD;
	s1 =	sshrl.u32 s1, $0x2  }
0xb8: {  	s3 =	sand.u32 $0x4000, s31;
	s1 =	sadd.s32 s1, s30  }
0xb9: {  	s0 =	sor.u32 s3, s0;
	s1 =	sshll.u32 s1, $0x11  }
0xba: {  	s0 =	sor.u32 s1, s0  }
0xbb: {  	s0 =	sadd.s32 $0x8F2B, s0  }
0xbc: {  	[sflag:s0] =	ssyncadd.remote.s32 $0x1  }
0xbd: {  	_ =	sfence.sel $0xFFFF  }
0xbe: {  	[dreg:$0x0] =	wrdreg $0xFFFFFFFF;
	(pc) =	sbr.abs _section_cstart, $3  }
0xbf: {  	[dreg:$0x1] =	wrdreg $0xFFFFFFFF  }
0xc0: {  	_ =	task.clear_ibuf [dreg:s6], $0x2FFFF;
	_ =	strace $0x9FFFFFFF  }
0xc1: {  	(tm) =	ssettm $0x7FFFFFFF  }
tec
execute0_lowered:
.L_overlay_start_1:
0x0: {  	(tag) =	ssettag $0x1  }
0x1: {  	s1 =	srdreg.scid  }
0x2: {  	s0 =	stileid.u32;
	s4 =	rddreg [dreg:$0x0]  }
0x3: {  	s2 =	simm.s32 $0x0;
	s14 =	simm.s32 $0x1;
	s15 =	simm.s32 $0x2  }
0x4: {  	s16 =	simm.s32 $0x4880;
	s17 =	simm.s32 $0x0;
	s10 =	smul.u32 $0x9600, s0  }
0x5: {  	s6 =	sand.u32 $0x1, s1;
	s3 =	sshll.u32 s0, $0x1;
	s29 =	smul.u32 $0x4B000, s0  }
0x6: {  	s1 =	rddreg [dreg:$0x1];
	s5 =	sor.u32 s6, s3;
	s28 =	smul.u32 $0x4B00, s6  }
0x7: {  	[smem:$0x7FF] =	sst s2;
	s11 =	sadd.s32 $0x25D200, s4;
	s7 =	smul.u32 $0x4B00, s5  }
0x8: {  	_ =	strace $0x80000047;
	s8 =	ssub.s32 $0x2, s6;
	s9 =	smul.u32 $0x25800, s5  }
0x9: {  	s3 =	sadd.s32 $0x13200, s4;
	s12 =	smul.u32 $0x25800, s6;
	s26 =	sshrl.u32 s8, $0x1  }
0xa: {  	s30 =	sadd.s32 s29, s11;
	s7 =	sshrl.u32 s7, $0x3;
	s9 =	sadd.s32 s11, s9  }
0xb: {  	s25 =	sadd.s32 s7, s4;
	s7 =	ssub.s32 s8, s26;
	s8 =	sadd.s32 s28, s10  }
0xc: {  	s6 =	sadd.s32 $0x23000, s9;
	s10 =	simm.s32 $0x3;
	s4 =	sadd.s32 $0x600, s25  }
0xd: {  	s5 =	smax.u32 s7, $0x1;
	s13 =	sshll.u32 s8, $0x3;
	s7 =	sadd.s32 $0x24400, s9  }
0xe: {  	s8 =	sadd.s32 s12, s30;
	s12 =	simm.s32 $0x280;
	s31 =	sadd.s32 s11, s13  }
0xf: {  	s11 =	simm.s32 $0x4B00;
	s13 =	simm.s32 $0xEB00;
	s9 =	sadd.s32 $0x1400, s31  }
.LBB2_1:
0x10: {  	[tilespmem:s2], [sflag:$0x3] =	stream.linear.gather [hbm4b:s4+s2], $0x4B00, $0x38;
	[tilespmem:$0x18B00] =	vst v63  }
0x11: {  	_ =	swait.ge [sflag:s10], $0x4B00  }
0x12: {  	[sflag:s10] =	ssyncset.done $0x0  }
0x13: {  	[sflag:s10] =	ssyncadd.s32 $0xFFFFB500  }
0x14: {  	[tilespmem:s11], [sflag:$0x1] =	stream.indirect.gather [hbm4b:s3+s12], $0x40, s2, s12, $0xb8;
	[tilespmem:$0x18B00] =	vst v63  }
0x15: {  	_ = 	snop  }
0x16: {  	[tilespmem:s13], [sflag:$0x2] =	stream.indirect.gather [hbm4b:s3+s12], $0x40, s12, s12, $0xb8;
	[tilespmem:$0x18B00] =	vst v63  }
0x17: {  	_ =	swait.ge [sflag:s14], $0xA000  }
0x18: {  	[sflag:s14] =	ssyncset.done $0x0  }
0x19: {  	s18 =	sadd.s32 $0x0, s8;
	[sflag:s14] =	ssyncadd.s32 $0xFFFF6000  }
0x1a: {  	[hbm4b:s18+s2] =	stream.linear.scatter [tilespmem:s11], [sflag:$0x3], $0xA000, $0x38;
	[tilespmem:$0x18B00] =	vst v63  }
0x1b: {  	_ =	swait.ge [sflag:s10], $0xA000  }
0x1c: {  	[sflag:s10] =	ssyncset.done $0x0  }
0x1d: {  	s30 =	simm.s32 $0x500;
	[sflag:s10] =	ssyncadd.s32 $0xFFFF6000  }
0x1e: {  	[tilespmem:s11], [sflag:$0x1] =	stream.indirect.gather [hbm4b:s3+s12], $0x40, s30, s12, $0xb8;
	[tilespmem:$0x18B00] =	vst v63  }
0x1f: {  	_ =	swait.ge [sflag:s15], $0xA000  }
0x20: {  	[sflag:s15] =	ssyncset.done $0x0  }
0x21: {  	s31 =	sadd.s32 $0x0, s9;
	[sflag:s15] =	ssyncadd.s32 $0xFFFF6000  }
0x22: {  	[hbm4b:s31+s2] =	stream.linear.scatter [tilespmem:s13], [sflag:$0x3], $0xA000, $0x38;
	[tilespmem:$0x18B00] =	vst v63  }
0x23: {  	_ =	swait.ge [sflag:s10], $0xA000  }
0x24: {  	s19 =	simm.s32 $0x280;
	s18 =	simm.s32 $0x2800;
	[sflag:s10] =	ssyncset.done $0x0  }
.LBB2_2:
0x25: {  	p0 =	sne.s32 s18, $0x20800;
	[sflag:s10] =	ssyncadd.s32 $0xFFFF6000;
	s19 =	sadd.s32 $0x500, s19  }
0x26: {  	[tilespmem:s13], [sflag:$0x2] =	stream.indirect.gather [hbm4b:s3+s12], $0x40, s19, s12, $0xb8;
	[tilespmem:$0x18B00] =	vst v63  }
0x27: {  	s20 =	smov.u32 s18;
	s18 =	sadd.s32 $0x2800, s18;
	_ =	swait.ge [sflag:s14], $0xA000  }
0x28: {  	[sflag:s14] =	ssyncset.done $0x0  }
0x29: {  	s21 =	sadd.s32 s20, s8;
	[sflag:s14] =	ssyncadd.s32 $0xFFFF6000  }
0x2a: {  	[hbm4b:s21+s2] =	stream.linear.scatter [tilespmem:s11], [sflag:$0x3], $0xA000, $0x38;
	[tilespmem:$0x18B00] =	vst v63  }
0x2b: {  	_ =	swait.ge [sflag:s10], $0xA000  }
0x2c: {  	[sflag:s10] =	ssyncset.done $0x0  }
0x2d: {  	s21 =	sadd.s32 $0x280, s19;
	[sflag:s10] =	ssyncadd.s32 $0xFFFF6000  }
0x2e: {  	[tilespmem:s11], [sflag:$0x1] =	stream.indirect.gather [hbm4b:s3+s12], $0x40, s21, s12, $0xb8;
	[tilespmem:$0x18B00] =	vst v63  }
0x2f: {  	_ =	swait.ge [sflag:s15], $0xA000  }
.Ltmp0:
0x30: {  	[sflag:s15] =	ssyncset.done $0x0;
	(pc) =	sbr.rel @p0 .LBB2_2-.Ltmp0, $4  }
0x31: {  	s20 =	sadd.s32 s20, s9;
	[sflag:s15] =	ssyncadd.s32 $0xFFFF6000  }
0x32: {  	[hbm4b:s20+s2] =	stream.linear.scatter [tilespmem:s13], [sflag:$0x3], $0xA000, $0x38;
	[tilespmem:$0x18B00] =	vst v63  }
0x33: {  	_ =	swait.ge [sflag:s10], $0xA000  }
0x34: {  	[sflag:s10] =	ssyncset.done $0x0  }
0x35: {  	[sflag:s10] =	ssyncadd.s32 $0xFFFF6000  }
0x36: {  	[tilespmem:s13], [sflag:$0x2] =	stream.indirect.gather [hbm4b:s3+s12], $0x40, s16, s12, $0xb8;
	[tilespmem:$0x18B00] =	vst v63  }
0x37: {  	_ =	swait.ge [sflag:s14], $0xA000  }
0x38: {  	[sflag:s14] =	ssyncset.done $0x0  }
0x39: {  	[sflag:s14] =	ssyncadd.s32 $0xFFFF6000  }
0x3a: {  	[hbm4b:s6+s2] =	stream.linear.scatter [tilespmem:s11], [sflag:$0x3], $0xA000, $0x38;
	[tilespmem:$0x18B00] =	vst v63  }
0x3b: {  	_ =	swait.ge [sflag:s10], $0xA000  }
0x3c: {  	[sflag:s10] =	ssyncset.done $0x0  }
0x3d: {  	[sflag:s10] =	ssyncadd.s32 $0xFFFF6000  }
0x3e: {  	s17 =	sadd.s32 $0x1, s17;
	_ =	swait.ge [sflag:s15], $0xA000  }
0x3f: {  	p0 =	sne.s32 s17, s5;
	[sflag:s15] =	ssyncset.done $0x0  }
.Ltmp1:
0x40: {  	[sflag:s15] =	ssyncadd.s32 $0xFFFF6000;
	(pc) =	sbr.rel @p0 .LBB2_1-.Ltmp1, $4  }
0x41: {  	[hbm4b:s7+s2] =	stream.linear.scatter [tilespmem:s13], [sflag:$0x3], $0xA000, $0x38;
	[tilespmem:$0x18B00] =	vst v63  }
0x42: {  	_ =	swait.ge [sflag:s10], $0xA000  }
0x43: {  	[sflag:s10] =	ssyncset.done $0x0  }
0x44: {  	[sflag:s10] =	ssyncadd.s32 $0xFFFF6000  }
0x45: {  	_ =	sfence.sel $0x180000  }
0x46: {  	[bflag:$0x0] =	sbarrier.arrive $0xFFFF  }
0x47: {  	p0 =	sne.s32 s0, $0x0;
	_ =	strace $0x90000047  }
0x48: {  	s0 =	sadd.s32 @!p0 $0x100000, s1;
	[bflag:$0x2] =	sbarrier.arrive $0xFFFF  }
0x49: {  	[sflag:s0] =	ssyncadd.tile.s32 @!p0 $0x1;
	_ =	shalt  }
.Lfunc_end2:
_tile_overlayer_lowered:
.L_overlay_start_2:
0x4a: {  	(tag) =	ssettag $0x2  }
0x4b: {  	s0 =	rddreg [dreg:$0x0];
	s2 =	stileid.u32  }
0x4c: {  	s1 =	rddreg [dreg:$0x1];
	p0 =	sne.s32 s2, $0x0  }
0x4d: {  	s3 =	rddreg [dreg:$0x2];
	[bflag:$0x3] =	sbarrier.arrive $0xFFFF;
	s2 =	simm.s32 @!p0 $0x1C03  }
0x4e: {  	[timem:s3], [sflag:s2] =	dma.local @!p0 [hbm:s0], s1  }
0x4f: {  	s0 =	simm.s32 @!p0 $0x3  }
0x50: {  	_ =	swait.ge @!p0 [sflag:s0], s1  }
0x51: {  	s1 =	ssub.s32 @!p0 $0x0, s1;
	[sflag:s0] =	ssyncset.done @!p0 $0x0  }
0x52: {  	[sflag:s0] =	ssyncadd.s32 @!p0 s1  }
0x53: {  	[bflag:$0x3] =	sbarrier.arrive $0xFFFF  }
0x54: {  	_ =	shalt  }

</sc_bundles>
